<compile_context>
chip_gen: v7x
topology: tpu7x:2x2x1
jax: 0.10.2.dev20260603
libtpu: 0.0.44.dev20260713+nightly
codegen_flags: <defaults>
</compile_context>

<pallas_src>
import functools

import jax
import jax.numpy as jnp
from jax import lax
from jax.experimental import pallas as pl
from jax.experimental.pallas import tpu as pltpu
from jax.experimental.pallas import tpu_sc as plsc

N = 10000
NP = 10240
D_IN = 256
D_HID = 256
D_OUT = 128
CHUNK = 128
NBUF = 2
RB = 640
NRB = NP // RB
RPT = NP // 16
EPS = 1e-5
SLOPE = 0.01


@functools.cache
def _mesh():
    return plsc.VectorSubcoreMesh(core_axis_name="c", subcore_axis_name="s")


def _scale_chunk(rows_ref, ew_ref, j, ngrp):

    def scale(g16, carry):
        wvec = ew_ref[j, pl.ds(g16 * 16, 16)]
        for lane in range(16):
            w = wvec[lane]
            kk = g16 * 16 + lane
            for gi in range(ngrp):
                sl = pl.ds(gi * 16, 16)
                rows_ref[kk, sl] = rows_ref[kk, sl] * w
        return carry

    lax.fori_loop(0, CHUNK // 16, scale, 0)


def _edge_pipeline(g_hbm, acc_sh, idx_b, col_b, ew_b, rows, gsems, ssems,
                   nch, ngrp):

    def issue_gather(jn, bn):
        pltpu.async_copy(g_hbm.at[idx_b.at[jn]], rows[bn], gsems[bn])

    def wait_gather(j, b):
        pltpu.make_async_copy(g_hbm.at[idx_b.at[0]], rows[b], gsems[b]).wait()

    def issue_scatter(j, b):
        pltpu.async_copy(rows[b], acc_sh.at[col_b.at[j]], ssems[b], add=True)

    def wait_scatter(b):
        pltpu.make_async_copy(rows[b], acc_sh.at[col_b.at[0]],
                              ssems[b]).wait()

    issue_gather(0, 0)
    issue_gather(1, 1)

    def outer(g, carry):
        for b in range(NBUF):
            j = g * NBUF + b
            wait_gather(j, b)
            _scale_chunk(rows[b], ew_b, j, ngrp)
            issue_scatter(j, b)
            jn = j + NBUF

            @pl.when(jn < nch)
            def _():
                wait_scatter(b)
                issue_gather(jn, b)

        return carry

    lax.fori_loop(0, nch // NBUF, outer, 0)
    for b in range(NBUF):
        wait_scatter(b)


@functools.partial(jax.jit, static_argnames=("e_pad",))
def _deg(col2, ew2, zeros_n, *, e_pad):
    nch = e_pad // 32 // CHUNK

    @functools.partial(
        pl.kernel,
        mesh=_mesh(),
        out_type=jax.ShapeDtypeStruct((2, NP), jnp.float32),
        scratch_types=[
            pltpu.VMEM((e_pad // 32 // CHUNK, CHUNK), jnp.int32),
            pltpu.VMEM((e_pad // 32 // CHUNK, CHUNK), jnp.float32),
            pltpu.VMEM_SHARED((NP,), jnp.float32),
            pltpu.SemaphoreType.DMA,
        ],
    )
    def k(col_hbm, ew_hbm, zeros_hbm, out_hbm, col_b, ew_b, deg_sh, sem):
        c = lax.axis_index("c")
        s = lax.axis_index("s")

        @pl.when(s == 0)
        def _():
            pltpu.sync_copy(zeros_hbm, deg_sh)

        base = c * (e_pad // 2 // CHUNK) + s * nch
        pltpu.sync_copy(col_hbm.at[pl.ds(base, nch)], col_b)
        pltpu.sync_copy(ew_hbm.at[pl.ds(base, nch)], ew_b)
        plsc.subcore_barrier()

        def body(j, carry):
            pltpu.async_copy(ew_b.at[j], deg_sh.at[col_b.at[j]], sem,
                             add=True)
            return carry

        lax.fori_loop(0, nch, body, 0)

        def drain(j, carry):
            pltpu.make_async_copy(ew_b.at[0], deg_sh.at[col_b.at[0]],
                                  sem).wait()
            return carry

        lax.fori_loop(0, nch, drain, 0)
        plsc.subcore_barrier()

        @pl.when(s == 0)
        def _():
            pltpu.sync_copy(deg_sh, out_hbm.at[c])

    return k(col2, ew2, zeros_n)


@functools.partial(jax.jit, static_argnames=("e_pad", "dh"))
def _scat_featsplit(rowst2, col2, ew2, g, *, e_pad, dh):
    nph = 2
    nch = e_pad // 16 // CHUNK // nph
    ngrp = dh // 16

    @functools.partial(
        pl.kernel,
        mesh=_mesh(),
        out_type=jax.ShapeDtypeStruct((2 * NP, dh), jnp.float32),
        scratch_types=(
            [pltpu.VMEM((nch, CHUNK), jnp.int32),
             pltpu.VMEM((nch, CHUNK), jnp.int32),
             pltpu.VMEM((nch, CHUNK), jnp.float32)]
            + [pltpu.VMEM((CHUNK, dh), jnp.float32)] * NBUF
            + [pltpu.VMEM_SHARED((NP, dh), jnp.float32)]
            + [pltpu.SemaphoreType.DMA] * (2 * NBUF)
        ),
    )
    def k(rowst_hbm, col_hbm, ew_hbm, g_hbm, out_hbm,
          idx_b, col_b, ew_b, r0, r1, acc_sh,
          gs0, gs1, ss0, ss1):
        c = lax.axis_index("c")
        s = lax.axis_index("s")
        rows = [r0, r1]
        gsems = [gs0, gs1]
        ssems = [ss0, ss1]
        pltpu.sync_copy(g_hbm.at[pl.ds(c * NP + s * RPT, RPT)],
                        acc_sh.at[pl.ds(s * RPT, RPT)])
        plsc.subcore_barrier()
        for p in range(nph):
            tb = s * (nph * nch) + p * nch
            pltpu.sync_copy(
                rowst_hbm.at[pl.ds(c * (e_pad // CHUNK) + tb, nch)], idx_b)
            pltpu.sync_copy(col_hbm.at[pl.ds(tb, nch)], col_b)
            pltpu.sync_copy(ew_hbm.at[pl.ds(tb, nch)], ew_b)
            _edge_pipeline(g_hbm, acc_sh, idx_b, col_b, ew_b, rows,
                           gsems, ssems, nch, ngrp)
        plsc.subcore_barrier()
        pltpu.sync_copy(acc_sh.at[pl.ds(s * RPT, RPT)],
                        out_hbm.at[pl.ds(c * NP + s * RPT, RPT)])

    return k(rowst2, col2, ew2, g)


@functools.partial(jax.jit, static_argnames=("e_pad", "dh"))
def _scat_edgesplit(row2, col2, ew2, g, zeros_nd, *, e_pad, dh):
    nch = e_pad // 32 // CHUNK
    ngrp = dh // 16

    @functools.partial(
        pl.kernel,
        mesh=_mesh(),
        out_type=jax.ShapeDtypeStruct((2 * NP, dh), jnp.float32),
        scratch_types=(
            [pltpu.VMEM((nch, CHUNK), jnp.int32),
             pltpu.VMEM((nch, CHUNK), jnp.int32),
             pltpu.VMEM((nch, CHUNK), jnp.float32)]
            + [pltpu.VMEM((CHUNK, dh), jnp.float32)] * NBUF
            + [pltpu.VMEM_SHARED((NP, dh), jnp.float32)]
            + [pltpu.SemaphoreType.DMA] * (2 * NBUF)
        ),
    )
    def k(row_hbm, col_hbm, ew_hbm, g_hbm, zeros_hbm, out_hbm,
          idx_b, col_b, ew_b, r0, r1, acc_sh,
          gs0, gs1, ss0, ss1):
        c = lax.axis_index("c")
        s = lax.axis_index("s")
        rows = [r0, r1]
        gsems = [gs0, gs1]
        ssems = [ss0, ss1]

        @pl.when(c == 0)
        def _():
            pltpu.sync_copy(g_hbm.at[pl.ds(s * RPT, RPT)],
                            acc_sh.at[pl.ds(s * RPT, RPT)])

        @pl.when(c != 0)
        def _():
            pltpu.sync_copy(zeros_hbm.at[pl.ds(s * RPT, RPT)],
                            acc_sh.at[pl.ds(s * RPT, RPT)])

        base = c * (e_pad // 2 // CHUNK) + s * nch
        pltpu.sync_copy(row_hbm.at[pl.ds(base, nch)], idx_b)
        pltpu.sync_copy(col_hbm.at[pl.ds(base, nch)], col_b)
        pltpu.sync_copy(ew_hbm.at[pl.ds(base, nch)], ew_b)
        plsc.subcore_barrier()
        _edge_pipeline(g_hbm, acc_sh, idx_b, col_b, ew_b, rows,
                       gsems, ssems, nch, ngrp)
        plsc.subcore_barrier()
        pltpu.sync_copy(acc_sh.at[pl.ds(s * RPT, RPT)],
                        out_hbm.at[pl.ds(c * NP + s * RPT, RPT)])

    return k(row2, col2, ew2, g, zeros_nd)


def _dis_from(dp_ref):
    deg = 1.0 + dp_ref[:, 0:1] + dp_ref[:, 1:2]
    return lax.rsqrt(deg)


def _pre1_body(x_ref, w_ref, dp_ref, g_ref):
    dis = _dis_from(dp_ref)
    h = jnp.dot(x_ref[...], w_ref[...], preferred_element_type=jnp.float32)
    g_ref[...] = h * dis


def _pre1(x, w1, dpt):
    return pl.pallas_call(
        _pre1_body,
        grid=(2, NRB),
        in_specs=[
            pl.BlockSpec((RB, D_IN), lambda c, i: (i, 0)),
            pl.BlockSpec((D_IN, 128), lambda c, i: (0, c)),
            pl.BlockSpec((RB, 2), lambda c, i: (i, 0)),
        ],
        out_specs=pl.BlockSpec((RB, 128), lambda c, i: (c * NRB + i, 0)),
        out_shape=jax.ShapeDtypeStruct((2 * NP, 128), jnp.float32),
    )(x, w1, dpt)


def _stats1_body(acc_ref, dp_ref, gam_ref, bet_ref, scale_ref, shift_ref,
                 s_ref, q_ref):
    c = pl.program_id(0)
    i = pl.program_id(1)
    dis = _dis_from(dp_ref)
    v = acc_ref[...] * dis
    ps = jnp.sum(v, axis=0, keepdims=True)
    pq = jnp.sum(v * v, axis=0, keepdims=True)

    @pl.when(i == 0)
    def _():
        s_ref[...] = jnp.zeros_like(s_ref)
        q_ref[...] = jnp.zeros_like(q_ref)

    s_ref[...] += ps
    q_ref[...] += pq

    @pl.when(i == NRB - 1)
    def _():
        m = s_ref[...] * (1.0 / N)
        var = q_ref[...] * (1.0 / N) - m * m
        sc = gam_ref[pl.ds(c, 1), :] * lax.rsqrt(var + EPS)
        scale_ref[pl.ds(c, 1), :] = sc
        shift_ref[pl.ds(c, 1), :] = bet_ref[pl.ds(c, 1), :] - m * sc


def _stats1(acc_st, dpt, gam2, bet2):
    return pl.pallas_call(
        _stats1_body,
        grid=(2, NRB),
        in_specs=[
            pl.BlockSpec((RB, 128), lambda c, i: (c * NRB + i, 0)),
            pl.BlockSpec((RB, 2), lambda c, i: (i, 0)),
            pl.BlockSpec((2, 128), lambda c, i: (0, 0)),
            pl.BlockSpec((2, 128), lambda c, i: (0, 0)),
        ],
        out_specs=[
            pl.BlockSpec((2, 128), lambda c, i: (0, 0)),
            pl.BlockSpec((2, 128), lambda c, i: (0, 0)),
        ],
        out_shape=[
            jax.ShapeDtypeStruct((2, 128), jnp.float32),
            jax.ShapeDtypeStruct((2, 128), jnp.float32),
        ],
        scratch_shapes=[
            pltpu.VMEM((1, 128), jnp.float32),
            pltpu.VMEM((1, 128), jnp.float32),
        ],
    )(acc_st, dpt, gam2, bet2)


def _lrelu(v):
    return jnp.where(v >= 0, v, SLOPE * v)


def _mid_body(acca_ref, accb_ref, dp_ref, sc_ref, sh_ref, w2a_ref, w2b_ref,
              g2_ref):
    i = pl.program_id(0)
    dis = _dis_from(dp_ref)
    xa = _lrelu(acca_ref[...] * dis * sc_ref[0:1, :] + sh_ref[0:1, :])
    xb = _lrelu(accb_ref[...] * dis * sc_ref[1:2, :] + sh_ref[1:2, :])
    h2 = (jnp.dot(xa, w2a_ref[...], preferred_element_type=jnp.float32)
          + jnp.dot(xb, w2b_ref[...], preferred_element_type=jnp.float32))
    rid = i * RB + lax.broadcasted_iota(jnp.int32, (RB, 1), 0)
    g2_ref[...] = jnp.where(rid < N, h2 * dis, 0.0)


def _mid(acc_st, dpt, sc1, sh1, w2a, w2b):
    return pl.pallas_call(
        _mid_body,
        grid=(NRB,),
        in_specs=[
            pl.BlockSpec((RB, 128), lambda i: (i, 0)),
            pl.BlockSpec((RB, 128), lambda i: (NRB + i, 0)),
            pl.BlockSpec((RB, 2), lambda i: (i, 0)),
            pl.BlockSpec((2, 128), lambda i: (0, 0)),
            pl.BlockSpec((2, 128), lambda i: (0, 0)),
            pl.BlockSpec((128, D_OUT), lambda i: (0, 0)),
            pl.BlockSpec((128, D_OUT), lambda i: (0, 0)),
        ],
        out_specs=pl.BlockSpec((RB, D_OUT), lambda i: (i, 0)),
        out_shape=jax.ShapeDtypeStruct((NP, D_OUT), jnp.float32),
    )(acc_st, acc_st, dpt, sc1, sh1, w2a, w2b)


def _stats2_body(acca_ref, accb_ref, dp_ref, gam_ref, bet_ref,
                 scale_ref, shift_ref, s_ref, q_ref):
    i = pl.program_id(0)
    dis = _dis_from(dp_ref)
    v = (acca_ref[...] + accb_ref[...]) * dis
    ps = jnp.sum(v, axis=0, keepdims=True)
    pq = jnp.sum(v * v, axis=0, keepdims=True)

    @pl.when(i == 0)
    def _():
        s_ref[...] = jnp.zeros_like(s_ref)
        q_ref[...] = jnp.zeros_like(q_ref)

    s_ref[...] += ps
    q_ref[...] += pq

    @pl.when(i == NRB - 1)
    def _():
        m = s_ref[...] * (1.0 / N)
        var = q_ref[...] * (1.0 / N) - m * m
        sc = gam_ref[...] * lax.rsqrt(var + EPS)
        scale_ref[...] = sc
        shift_ref[...] = bet_ref[...] - m * sc


def _stats2(acc_pair, dpt, gam, bet):
    return pl.pallas_call(
        _stats2_body,
        grid=(NRB,),
        in_specs=[
            pl.BlockSpec((RB, D_OUT), lambda i: (i, 0)),
            pl.BlockSpec((RB, D_OUT), lambda i: (NRB + i, 0)),
            pl.BlockSpec((RB, 2), lambda i: (i, 0)),
            pl.BlockSpec((1, D_OUT), lambda i: (0, 0)),
            pl.BlockSpec((1, D_OUT), lambda i: (0, 0)),
        ],
        out_specs=[
            pl.BlockSpec((1, D_OUT), lambda i: (0, 0)),
            pl.BlockSpec((1, D_OUT), lambda i: (0, 0)),
        ],
        out_shape=[
            jax.ShapeDtypeStruct((1, D_OUT), jnp.float32),
            jax.ShapeDtypeStruct((1, D_OUT), jnp.float32),
        ],
        scratch_shapes=[
            pltpu.VMEM((1, D_OUT), jnp.float32),
            pltpu.VMEM((1, D_OUT), jnp.float32),
        ],
    )(acc_pair, acc_pair, dpt, gam, bet)


def _apply_body(acca_ref, accb_ref, dp_ref, sc_ref, sh_ref, out_ref):
    dis = _dis_from(dp_ref)
    out_ref[...] = ((acca_ref[...] + accb_ref[...]) * dis * sc_ref[...]
                    + sh_ref[...])


def _apply2(acc_pair, dpt, sc2, sh2):
    return pl.pallas_call(
        _apply_body,
        grid=(NRB,),
        in_specs=[
            pl.BlockSpec((RB, D_OUT), lambda i: (i, 0)),
            pl.BlockSpec((RB, D_OUT), lambda i: (NRB + i, 0)),
            pl.BlockSpec((RB, 2), lambda i: (i, 0)),
            pl.BlockSpec((1, D_OUT), lambda i: (0, 0)),
            pl.BlockSpec((1, D_OUT), lambda i: (0, 0)),
        ],
        out_specs=pl.BlockSpec((RB, D_OUT), lambda i: (i, 0)),
        out_shape=jax.ShapeDtypeStruct((N, D_OUT), jnp.float32),
    )(acc_pair, acc_pair, dpt, sc2, sh2)


def kernel(GO_adj, GO_weight, drug_smiles_fea, W1, b1, gamma1, beta1,
           W2, b2, gamma2, beta2):
    row = GO_adj[0].astype(jnp.int32)
    col = GO_adj[1].astype(jnp.int32)
    ew = GO_weight.astype(jnp.float32)
    x = jnp.pad(drug_smiles_fea, ((0, NP - N), (0, 0)))

    e = row.shape[0]
    e_pad = ((e + 4095) // 4096) * 4096
    pad = e_pad - e
    row_p = jnp.pad(row, (0, pad))
    col_p = jnp.pad(col, (0, pad))
    ew_p = jnp.pad(ew, (0, pad))
    row2 = row_p.reshape(-1, CHUNK)
    col2 = col_p.reshape(-1, CHUNK)
    ew2 = ew_p.reshape(-1, CHUNK)
    rowst2 = jnp.concatenate([row_p, row_p + NP]).reshape(-1, CHUNK)

    zeros_n = jnp.zeros((NP,), jnp.float32)
    zeros_nd = jnp.zeros((NP, D_OUT), jnp.float32)
    gam1 = gamma1.reshape(2, 128)
    bet1 = beta1.reshape(2, 128)
    gam2 = gamma2.reshape(1, D_OUT)
    bet2 = beta2.reshape(1, D_OUT)
    w2a = W2[:128]
    w2b = W2[128:]

    deg_pair = _deg(col2, ew2, zeros_n, e_pad=e_pad)
    dpt = deg_pair.T

    g1_st = _pre1(x, W1, dpt)
    acc1_st = _scat_featsplit(rowst2, col2, ew2, g1_st,
                              e_pad=e_pad, dh=128)
    sc1, sh1 = _stats1(acc1_st, dpt, gam1, bet1)
    g2 = _mid(acc1_st, dpt, sc1, sh1, w2a, w2b)
    acc2 = _scat_edgesplit(row2, col2, ew2, g2, zeros_nd,
                           e_pad=e_pad, dh=D_OUT)
    sc2, sh2 = _stats2(acc2, dpt, gam2, bet2)
    out = _apply2(acc2, dpt, sc2, sh2)
    return out

# --- scband reference (transcript-rebuilt; emitter-appended) ---
"""Pipeline reference for scband-go-network-9440338117058 (READ-ONLY COPY).

The authoritative reference and input builder live on the scoring server;
editing this copy changes nothing except your own understanding.
"""

import jax, jax.numpy as jnp
import numpy as np

N_NODES = 10000
N_EDGES = 160000
D_IN = 256
D_HID = 256
D_OUT = 128


def setup_inputs(seed: int = 0) -> dict:
    key = jax.random.key(seed)
    k1, k2, k3, k4, k5, k6, k7, k8 = jax.random.split(key, 8)
    GO_adj = jax.random.randint(k1, (2, N_EDGES), 0, N_NODES, dtype=jnp.int64) if jax.config.jax_enable_x64 else jax.random.randint(k1, (2, N_EDGES), 0, N_NODES).astype(jnp.int32)
    GO_weight = jax.random.uniform(k2, (N_EDGES,), dtype=jnp.float32)
    drug_smiles_fea = jax.random.normal(k3, (N_NODES, D_IN), dtype=jnp.float32)
    W1 = jax.random.normal(k4, (D_IN, D_HID), dtype=jnp.float32) * (1.0 / np.sqrt(D_IN))
    b1 = jnp.zeros((D_HID,), dtype=jnp.float32)
    gamma1 = jax.random.uniform(k5, (D_HID,), dtype=jnp.float32) + 0.5
    beta1 = jax.random.normal(k6, (D_HID,), dtype=jnp.float32) * 0.1
    W2 = jax.random.normal(k7, (D_HID, D_OUT), dtype=jnp.float32) * (1.0 / np.sqrt(D_HID))
    b2 = jnp.zeros((D_OUT,), dtype=jnp.float32)
    gamma2 = jax.random.uniform(k8, (D_OUT,), dtype=jnp.float32) + 0.5
    beta2 = jnp.zeros((D_OUT,), dtype=jnp.float32)
    return {"GO_adj": GO_adj, "GO_weight": GO_weight, "drug_smiles_fea": drug_smiles_fea,
            "W1": W1, "b1": b1, "gamma1": gamma1, "beta1": beta1,
            "W2": W2, "b2": b2, "gamma2": gamma2, "beta2": beta2}


def _gcn_conv(x, edge_index, edge_weight, W, b, num_nodes):
    # PyG GCNConv: add self-loops (weight 1), symmetric normalization, linear (no bias), scatter-add, + bias
    row = edge_index[0]
    col = edge_index[1]
    loop = jnp.arange(num_nodes, dtype=row.dtype)
    row = jnp.concatenate([row, loop])
    col = jnp.concatenate([col, loop])
    ew = jnp.concatenate([edge_weight, jnp.ones((num_nodes,), dtype=x.dtype)])
    deg = jnp.zeros((num_nodes,), dtype=x.dtype).at[col].add(ew)
    deg_inv_sqrt = jnp.where(deg > 0, 1.0 / jnp.sqrt(deg), 0.0)
    norm = deg_inv_sqrt[row] * ew * deg_inv_sqrt[col]
    h = x @ W
    msg = norm[:, None] * jnp.take(h, row, axis=0)
    out = jnp.zeros((num_nodes, W.shape[1]), dtype=x.dtype).at[col].add(msg)
    return out + b


def _batch_norm(x, gamma, beta, eps=1e-5):
    mean = jnp.mean(x, axis=0)
    var = jnp.var(x, axis=0)
    return gamma * (x - mean) / jnp.sqrt(var + eps) + beta


def _leaky_relu(x, slope=0.01):
    return jnp.where(x >= 0, x, slope * x)


def reference(GO_adj, GO_weight, drug_smiles_fea, W1, b1, gamma1, beta1, W2, b2, gamma2, beta2):
    n = drug_smiles_fea.shape[0]
    x = _gcn_conv(drug_smiles_fea, GO_adj, GO_weight, W1, b1, n)
    x = _batch_norm(x, gamma1, beta1)
    x = _leaky_relu(x)
    # dropout is identity in eval / deterministic reference
    x = _gcn_conv(x, GO_adj, GO_weight, W2, b2, n)
    x = _batch_norm(x, gamma2, beta2)
    return x

if __name__ == "__main__":
    import jax
    _d = setup_inputs()
    print(jax.jit(kernel)(*tuple(_d.values())))

</pallas_src>

<mosaic_0001>
#map = affine_map<(d0, d1) -> (0, 0)>
#map1 = affine_map<(d0, d1) -> (0)>
module attributes {stable_mosaic.version = 14 : i64} {
  func.func @k(%arg0: i32, %arg1: i32, %arg2: memref<1280x128xi32, #tpu.memory_space<hbm>>, %arg3: memref<1280x128xf32, #tpu.memory_space<hbm>>, %arg4: memref<10240xf32, #tpu.memory_space<hbm>>, %arg5: memref<2x10240xf32, #tpu.memory_space<hbm>>, %arg6: memref<40x128xi32, #tpu.memory_space<vmem>>, %arg7: memref<40x128xf32, #tpu.memory_space<vmem>>, %arg8: memref<10240xf32, #tpu.memory_space<vmem_shared>>, %arg9: memref<!tpu.dma_semaphore, #tpu.memory_space<semaphore_mem>>) attributes {dimension_semantics = [#tpu.dimension_semantics<core_parallel>, #tpu.dimension_semantics<subcore_parallel>], iteration_bounds = array<i64: 2, 16>, scalar_prefetch = 0 : i64, scratch_operands = 4 : i64, tpu.core_type = #tpu.core_type<sc_vector_subcore>, window_params = [{transform_indices = #map}, {transform_indices = #map}, {transform_indices = #map1}, {transform_indices = #map}]} {
    %eq3A = arith.constant 0 : i32
    %eq3A_0 = arith.cmpi eq, %arg1, %eq3A : i32
    %convert_element_type3A = arith.extui %eq3A_0 : i1 to i32
    %cond3A = arith.constant 0 : i32
    %cond3A_1 = arith.cmpi ne, %convert_element_type3A, %cond3A : i32
    scf.if %cond3A_1 {
      "tpu.region"() ({
        %run_scoped3A = tpu.sem_alloc : memref<!tpu.dma_semaphore, #tpu.memory_space<semaphore_mem>>
        tpu.enqueue_dma source(%arg4 : memref<10240xf32, #tpu.memory_space<hbm>>) target(%arg8 : memref<10240xf32, #tpu.memory_space<vmem_shared>>) target_semaphore(%run_scoped3A : memref<!tpu.dma_semaphore, #tpu.memory_space<semaphore_mem>>)
        tpu.wait_dma2 semaphore(%run_scoped3A : memref<!tpu.dma_semaphore, #tpu.memory_space<semaphore_mem>>) src(%arg4 : memref<10240xf32, #tpu.memory_space<hbm>>) dst(%arg8 : memref<10240xf32, #tpu.memory_space<vmem_shared>>)
        tpu.yield
      }) : () -> ()
    } else {
    }
    %mul3A = arith.constant 640 : i32
    %mul3A_2 = arith.muli %arg0, %mul3A : i32
    %mul3A_3 = arith.constant 40 : i32
    %mul3A_4 = arith.muli %arg1, %mul3A_3 : i32
    %add3A = arith.addi %mul3A_2, %mul3A_4 : i32
    "tpu.region"() ({
      %run_scoped3A = tpu.sem_alloc : memref<!tpu.dma_semaphore, #tpu.memory_space<semaphore_mem>>
      %dma_start3A = arith.constant 0 : i32
      %dma_start3A_22 = tpu.memref_slice %arg2[%add3A, %dma_start3A] : memref<1280x128xi32, #tpu.memory_space<hbm>> -> memref<40x128xi32, #tpu.memory_space<hbm>>
      %dma_start3A_23 = arith.constant 0 : i32
      %dma_start3A_24 = tpu.memref_slice %arg2[%add3A, %dma_start3A_23] : memref<1280x128xi32, #tpu.memory_space<hbm>> -> memref<40x128xi32, #tpu.memory_space<hbm>>
      tpu.enqueue_dma source(%dma_start3A_24 : memref<40x128xi32, #tpu.memory_space<hbm>>) target(%arg6 : memref<40x128xi32, #tpu.memory_space<vmem>>) target_semaphore(%run_scoped3A : memref<!tpu.dma_semaphore, #tpu.memory_space<semaphore_mem>>)
      %dma_wait3A = arith.constant 0 : i32
      %dma_wait3A_25 = tpu.memref_slice %arg2[%add3A, %dma_wait3A] : memref<1280x128xi32, #tpu.memory_space<hbm>> -> memref<40x128xi32, #tpu.memory_space<hbm>>
      %dma_wait3A_26 = arith.constant 0 : i32
      %dma_wait3A_27 = tpu.memref_slice %arg2[%add3A, %dma_wait3A_26] : memref<1280x128xi32, #tpu.memory_space<hbm>> -> memref<40x128xi32, #tpu.memory_space<hbm>>
      tpu.wait_dma2 semaphore(%run_scoped3A : memref<!tpu.dma_semaphore, #tpu.memory_space<semaphore_mem>>) src(%dma_wait3A_27 : memref<40x128xi32, #tpu.memory_space<hbm>>) dst(%arg6 : memref<40x128xi32, #tpu.memory_space<vmem>>)
      tpu.yield
    }) : () -> ()
    "tpu.region"() ({
      %run_scoped3A = tpu.sem_alloc : memref<!tpu.dma_semaphore, #tpu.memory_space<semaphore_mem>>
      %dma_start3A = arith.constant 0 : i32
      %dma_start3A_22 = tpu.memref_slice %arg3[%add3A, %dma_start3A] : memref<1280x128xf32, #tpu.memory_space<hbm>> -> memref<40x128xf32, #tpu.memory_space<hbm>>
      %dma_start3A_23 = arith.constant 0 : i32
      %dma_start3A_24 = tpu.memref_slice %arg3[%add3A, %dma_start3A_23] : memref<1280x128xf32, #tpu.memory_space<hbm>> -> memref<40x128xf32, #tpu.memory_space<hbm>>
      tpu.enqueue_dma source(%dma_start3A_24 : memref<40x128xf32, #tpu.memory_space<hbm>>) target(%arg7 : memref<40x128xf32, #tpu.memory_space<vmem>>) target_semaphore(%run_scoped3A : memref<!tpu.dma_semaphore, #tpu.memory_space<semaphore_mem>>)
      %dma_wait3A = arith.constant 0 : i32
      %dma_wait3A_25 = tpu.memref_slice %arg3[%add3A, %dma_wait3A] : memref<1280x128xf32, #tpu.memory_space<hbm>> -> memref<40x128xf32, #tpu.memory_space<hbm>>
      %dma_wait3A_26 = arith.constant 0 : i32
      %dma_wait3A_27 = tpu.memref_slice %arg3[%add3A, %dma_wait3A_26] : memref<1280x128xf32, #tpu.memory_space<hbm>> -> memref<40x128xf32, #tpu.memory_space<hbm>>
      tpu.wait_dma2 semaphore(%run_scoped3A : memref<!tpu.dma_semaphore, #tpu.memory_space<semaphore_mem>>) src(%dma_wait3A_27 : memref<40x128xf32, #tpu.memory_space<hbm>>) dst(%arg7 : memref<40x128xf32, #tpu.memory_space<vmem>>)
      tpu.yield
    }) : () -> ()
    %barrier3A = arith.constant 0 : index
    tpu.barrier barrier_id(%barrier3A)
    %scan3A = arith.constant 0 : i32
    %scan3A_5 = arith.constant 0 : i32
    %scan3A_6 = arith.constant 40 : i32
    %scan3A_7 = arith.addi %scan3A_5, %scan3A_6 : i32
    %scan3A_8 = arith.constant 1 : i32
    scf.for %scan3A_22 = %scan3A_5 to %scan3A_7 step %scan3A_8  : i32 {
      %dma_start3A = arith.constant 0 : i32
      %dma_start3A_23 = tpu.memref_slice %arg7[%scan3A_22, %dma_start3A] : memref<40x128xf32, #tpu.memory_space<vmem>> -> memref<1x128xf32, #tpu.memory_space<vmem>>
      %dma_start3A_24 = tpu.memref_squeeze %dma_start3A_23 : memref<1x128xf32, #tpu.memory_space<vmem>> -> memref<128xf32, #tpu.memory_space<vmem>>
      %dma_start3A_25 = arith.constant 0 : i32
      %dma_start3A_26 = tpu.memref_slice %arg6[%scan3A_22, %dma_start3A_25] : memref<40x128xi32, #tpu.memory_space<vmem>> -> memref<1x128xi32, #tpu.memory_space<vmem>>
      %dma_start3A_27 = tpu.memref_squeeze %dma_start3A_26 : memref<1x128xi32, #tpu.memory_space<vmem>> -> memref<128xi32, #tpu.memory_space<vmem>>
      %dma_start3A_28 = arith.constant 0 : i32
      %dma_start3A_29 = tpu.memref_slice %arg8[%dma_start3A_28] : memref<10240xf32, #tpu.memory_space<vmem_shared>> -> memref<10240xf32, #tpu.memory_space<vmem_shared>>
      tpu.enqueue_indirect_dma source(%dma_start3A_24 : memref<128xf32, #tpu.memory_space<vmem>>) target(%dma_start3A_29 : memref<10240xf32, #tpu.memory_space<vmem_shared>>) offsets(%dma_start3A_27 : memref<128xi32, #tpu.memory_space<vmem>>) semaphore(%arg9 : memref<!tpu.dma_semaphore, #tpu.memory_space<semaphore_mem>>) {add = true}
    }
    %scan3A_9 = arith.constant 40 : i32
    %scan3A_10 = arith.constant 0 : i32
    %scan3A_11 = arith.constant 0 : i32
    %scan3A_12 = arith.constant 40 : i32
    %scan3A_13 = arith.addi %scan3A_11, %scan3A_12 : i32
    %scan3A_14 = arith.constant 1 : i32
    scf.for %scan3A_22 = %scan3A_11 to %scan3A_13 step %scan3A_14  : i32 {
      %dma_wait3A = arith.constant 0 : i32
      %dma_wait3A_23 = arith.constant 0 : i32
      %dma_wait3A_24 = arith.constant 0 : i32
      %dma_wait3A_25 = tpu.memref_slice %arg7[%dma_wait3A, %dma_wait3A_24] : memref<40x128xf32, #tpu.memory_space<vmem>> -> memref<1x128xf32, #tpu.memory_space<vmem>>
      %dma_wait3A_26 = tpu.memref_squeeze %dma_wait3A_25 : memref<1x128xf32, #tpu.memory_space<vmem>> -> memref<128xf32, #tpu.memory_space<vmem>>
      %dma_wait3A_27 = arith.constant 0 : i32
      %dma_wait3A_28 = tpu.memref_slice %arg6[%dma_wait3A_23, %dma_wait3A_27] : memref<40x128xi32, #tpu.memory_space<vmem>> -> memref<1x128xi32, #tpu.memory_space<vmem>>
      %dma_wait3A_29 = tpu.memref_squeeze %dma_wait3A_28 : memref<1x128xi32, #tpu.memory_space<vmem>> -> memref<128xi32, #tpu.memory_space<vmem>>
      %dma_wait3A_30 = arith.constant 0 : i32
      %dma_wait3A_31 = tpu.memref_slice %arg8[%dma_wait3A_30] : memref<10240xf32, #tpu.memory_space<vmem_shared>> -> memref<10240xf32, #tpu.memory_space<vmem_shared>>
      tpu.wait_indirect_dma semaphore(%arg9 : memref<!tpu.dma_semaphore, #tpu.memory_space<semaphore_mem>>) src(%dma_wait3A_26 : memref<128xf32, #tpu.memory_space<vmem>>) dst(%dma_wait3A_31 : memref<10240xf32, #tpu.memory_space<vmem_shared>>)
    }
    %scan3A_15 = arith.constant 40 : i32
    %barrier3A_16 = arith.constant 0 : index
    tpu.barrier barrier_id(%barrier3A_16)
    %eq3A_17 = arith.constant 0 : i32
    %eq3A_18 = arith.cmpi eq, %arg1, %eq3A_17 : i32
    %convert_element_type3A_19 = arith.extui %eq3A_18 : i1 to i32
    %cond3A_20 = arith.constant 0 : i32
    %cond3A_21 = arith.cmpi ne, %convert_element_type3A_19, %cond3A_20 : i32
    scf.if %cond3A_21 {
      "tpu.region"() ({
        %run_scoped3A = tpu.sem_alloc : memref<!tpu.dma_semaphore, #tpu.memory_space<semaphore_mem>>
        %dma_start3A = arith.constant 0 : i32
        %dma_start3A_22 = tpu.memref_slice %arg5[%arg0, %dma_start3A] : memref<2x10240xf32, #tpu.memory_space<hbm>> -> memref<1x10240xf32, #tpu.memory_space<hbm>>
        %dma_start3A_23 = tpu.memref_squeeze %dma_start3A_22 : memref<1x10240xf32, #tpu.memory_space<hbm>> -> memref<10240xf32, #tpu.memory_space<hbm>>
        tpu.enqueue_dma source(%arg8 : memref<10240xf32, #tpu.memory_space<vmem_shared>>) target(%dma_start3A_23 : memref<10240xf32, #tpu.memory_space<hbm>>) target_semaphore(%run_scoped3A : memref<!tpu.dma_semaphore, #tpu.memory_space<semaphore_mem>>)
        %dma_wait3A = arith.constant 0 : i32
        %dma_wait3A_24 = tpu.memref_slice %arg5[%arg0, %dma_wait3A] : memref<2x10240xf32, #tpu.memory_space<hbm>> -> memref<1x10240xf32, #tpu.memory_space<hbm>>
        %dma_wait3A_25 = tpu.memref_squeeze %dma_wait3A_24 : memref<1x10240xf32, #tpu.memory_space<hbm>> -> memref<10240xf32, #tpu.memory_space<hbm>>
        tpu.wait_dma2 semaphore(%run_scoped3A : memref<!tpu.dma_semaphore, #tpu.memory_space<semaphore_mem>>) src(%arg8 : memref<10240xf32, #tpu.memory_space<vmem_shared>>) dst(%dma_wait3A_25 : memref<10240xf32, #tpu.memory_space<hbm>>)
        tpu.yield
      }) : () -> ()
    } else {
    }
    return
  }
}

</mosaic_0001>

<sc_bundles>
// kernel: _deg.3.cloned.1.call-start
scs
__scs_entry_jumppad:
0x0: {  	(pc) =	sbr.rel $0x88, $3  }
0x1: {  	(tag) =	ssettag $0x0;
	lr =	simm.s32 $0x1  }
0x2: {  	[smem:$0x3F9E] =	sst lr;
	_ =	strace $0xD0000000  }
0x3: {  	_ = 	snop  }
0x4: {  	_ = 	snop  }
0x5: {  	_ = 	snop  }
0x6: {  	_ = 	snop  }
0x7: {  	_ = 	snop  }
__scs_overlays_trampoline_lowered:
0x8: {  	[smem:$0x3FAD] =	sst s0  }
0x9: {  	[smem:$0x3FAE] =	sst s1  }
0xa: {  	[smem:$0x3FAF] =	sst s2  }
0xb: {  	[smem:$0x3FB0] =	sst s3  }
0xc: {  	[smem:$0x3FB1] =	sst s4  }
0xd: {  	[smem:$0x3FB2] =	sst s5  }
0xe: {  	[smem:$0x3FB3] =	sst s6  }
0xf: {  	[smem:$0x3FB4] =	sst s7  }
0x10: {  	[smem:$0x3FB5] =	sst s8  }
0x11: {  	[smem:$0x3FB6] =	sst s9;
	s0 =	simm.s32 @!p0 $0x0  }
0x12: {  	s1 =	sld [smem:$0x3F9C];
	s0 =	simm.s32 @p0 $0x1  }
0x13: {  	[smem:$0x3FB7] =	sst s0;
	s0 =	simm.s32 @!p1 $0x0  }
0x14: {  	s2 =	sld [smem:$0x3F9B];
	s0 =	simm.s32 @p1 $0x1  }
0x15: {  	[smem:$0x3FB8] =	sst s0;
	s0 =	simm.s32 @!p2 $0x0  }
0x16: {  	s3 =	sld [smem:$0x3FDB];
	s0 =	simm.s32 @p2 $0x1  }
0x17: {  	s4 =	simm.s32 $0x1BF5;
	[smem:$0x3FBA] =	sst s0  }
0x18: {  	s0 =	sld [smem:$0x3F9D];
	_ =	swait.ge [sflag:s4], $0x0  }
0x19: {  	s7 =	sld [smem:$0x3F9E]  }
0x1a: {  	s8 =	sadd.s32 $0xFFFFE003, lr  }
0x1b: {  	s9 =	sadd.s32 $0xFFFFFEF7, lr;
	s5 =	simm.s32 $0xFFFFFFFF;
	p2 =	slt.u32 s8, $0xFFFFF086  }
0x1c: {  	p1 =	slt.u32 s9, $0xF7A;
	s5 =	simm.s32 @!p2 $0x0  }
0x1d: {  	s5 =	simm.s32 @p1 $0x1;
	p0 =	seq.s32 s7, s2  }
0x1e: {  	s7 =	smul.u32 @!p0 $0xF7A, s2;
	p2 =	seq.s32 @!p0 s5, $0x0  }
0x1f: {  	s9 =	smul.u32 $0xF7A, s1;
	s8 =	simm.s32 @!p0 $0x1BF5;
	p2 =	por !p2, p0  }
0x20: {  	[sflag:s8] =	ssyncset.s32 @!p0 $0xFFFFF086;
	s6 =	sadd.s32 @!p0 s3, s7;
	s7 =	simm.s32 @!p0 $0x108  }
0x21: {  	s3 =	sadd.s32 s3, s9;
	s6 =	sadd.s32 @!p0 $0x88, s6;
	s7 =	simm.s32 @p2 $0x1082  }
0x22: {  	[simem:s7], [sflag:s8] =	dma.local @!p0 [hbm:s6], $0xF7A  }
0x23: {  	s9 =	sor.u32 $0xD0000000, s2;
	s6 =	simm.s32 $0x108;
	_ =	swait.ge @!p0 [sflag:s8], $0x0  }
0x24: {  	s3 =	sadd.s32 $0x88, s3;
	s6 =	simm.s32 @!p1 $0x1082;
	[sflag:s4] =	ssyncset.s32 $0xFFFFF086  }
0x25: {  	[simem:s6], [sflag:s4] =	dma.local [hbm:s3], $0xF7A  }
0x26: {  	[smem:$0x3F9E] =	sst s1;
	(tag) =	ssettag s2;
	_ =	strace s9  }
0x27: {  	s1 =	sld [smem:$0x3FAE]  }
0x28: {  	s2 =	sld [smem:$0x3FAF]  }
0x29: {  	s4 =	sld [smem:$0x3FB1]  }
0x2a: {  	p0 =	seq.s32 s5, $0x0;
	s5 =	sld [smem:$0x3FB2]  }
0x2b: {  	s6 =	sld [smem:$0x3FB3]  }
0x2c: {  	s7 =	sld [smem:$0x3FB4]  }
0x2d: {  	s3 =	simm.s32 $0x108;
	s8 =	sld [smem:$0x3FB5]  }
0x2e: {  	s3 =	simm.s32 @!p0 $0x1082;
	s9 =	sld [smem:$0x3FB6]  }
0x2f: {  	lr =	sadd.s32 s0, s3;
	s0 =	sld [smem:$0x3FAD]  }
0x30: {  	s3 =	sld [smem:$0x3FB0]  }
0x31: {  	[smem:$0x3FB9] =	sst s10  }
0x32: {  	s10 =	sld [smem:$0x3FB7];
	_ =	sdelay $0x3  }
0x33: {  	p0 =	seq.s32 s10, $0x1;
	s10 =	sld [smem:$0x3FB9];
	_ =	sdelay $0x3  }
0x34: {  	[smem:$0x3FB9] =	sst s10  }
0x35: {  	s10 =	sld [smem:$0x3FB8];
	_ =	sdelay $0x3  }
0x36: {  	p1 =	seq.s32 s10, $0x1;
	s10 =	sld [smem:$0x3FB9];
	_ =	sdelay $0x3  }
0x37: {  	[smem:$0x3FB9] =	sst s10  }
0x38: {  	s10 =	sld [smem:$0x3FBA]  }
0x39: {  	_ = 	snop;
	(pc) =	sbr.ind lr, $3  }
0x3a: {  	_ = 	snop  }
0x3b: {  	_ = 	snop  }
0x3c: {  	p2 =	seq.s32 s10, $0x1;
	s10 =	sld [smem:$0x3FB9]  }
0x3d: {  	_ =	shalt  }
0x3e: {  	_ =	shalt  }
0x3f: {  	_ =	shalt  }
0x40: {  	_ =	shalt  }
0x41: {  	_ =	shalt  }
0x42: {  	_ =	shalt  }
0x43: {  	_ =	shalt  }
0x44: {  	_ =	shalt  }
0x45: {  	_ =	shalt  }
0x46: {  	_ =	shalt  }
0x47: {  	_ =	shalt  }
0x48: {  	_ =	shalt  }
0x49: {  	_ =	shalt  }
0x4a: {  	_ =	shalt  }
0x4b: {  	_ =	shalt  }
0x4c: {  	_ =	shalt  }
0x4d: {  	_ =	shalt  }
0x4e: {  	_ =	shalt  }
0x4f: {  	_ =	shalt  }
0x50: {  	_ =	shalt  }
0x51: {  	_ =	shalt  }
0x52: {  	_ =	shalt  }
0x53: {  	_ =	shalt  }
0x54: {  	_ =	shalt  }
0x55: {  	_ =	shalt  }
0x56: {  	_ =	shalt  }
0x57: {  	_ =	shalt  }
0x58: {  	_ =	shalt  }
0x59: {  	_ =	shalt  }
0x5a: {  	_ =	shalt  }
0x5b: {  	_ =	shalt  }
0x5c: {  	_ =	shalt  }
0x5d: {  	_ =	shalt  }
0x5e: {  	_ =	shalt  }
0x5f: {  	_ =	shalt  }
0x60: {  	_ =	shalt  }
0x61: {  	_ =	shalt  }
0x62: {  	_ =	shalt  }
0x63: {  	_ =	shalt  }
0x64: {  	_ =	shalt  }
0x65: {  	_ =	shalt  }
0x66: {  	_ =	shalt  }
0x67: {  	_ =	shalt  }
0x68: {  	_ =	shalt  }
0x69: {  	_ =	shalt  }
0x6a: {  	_ =	shalt  }
0x6b: {  	_ =	shalt  }
0x6c: {  	_ =	shalt  }
0x6d: {  	_ =	shalt  }
0x6e: {  	_ =	shalt  }
0x6f: {  	_ =	shalt  }
0x70: {  	_ =	shalt  }
0x71: {  	_ =	shalt  }
0x72: {  	_ =	shalt  }
0x73: {  	_ =	shalt  }
0x74: {  	_ =	shalt  }
0x75: {  	_ =	shalt  }
0x76: {  	_ =	shalt  }
0x77: {  	_ =	shalt  }
0x78: {  	_ =	shalt  }
0x79: {  	_ =	shalt  }
0x7a: {  	_ =	shalt  }
0x7b: {  	_ =	shalt  }
0x7c: {  	_ =	shalt  }
0x7d: {  	_ =	shalt  }
0x7e: {  	_ =	shalt  }
0x7f: {  	_ =	shalt  }
0x80: {  	_ =	shalt  }
0x81: {  	_ =	shalt  }
0x82: {  	_ =	shalt  }
0x83: {  	_ =	shalt  }
0x84: {  	_ =	shalt  }
0x85: {  	_ =	shalt  }
0x86: {  	_ =	shalt  }
0x87: {  	_ =	shalt  }
.Lfunc_end0:
.L_simem_size_0:
called_computation_lowered:
.L_overlay_start_0:
0x88: {  	s2 =	sld [smem:$0x3FD9]  }
0x89: {  	s3 =	sld [smem:$0x3FFE];
	_ =	sdelay $0x1  }
0x8a: {  	s1 =	srdreg.scid  }
0x8b: {  	s0 =	sand.u32 $0x1, s1  }
0x8c: {  	s18 =	sshll.u32 s0, $0xA;
	s2 =	sadd.s32 s3, s2  }
0x8d: {  	s2 =	sadd.s32 s2, s18  }
0x8e: {  	[smem:$0x3FC5] =	sst s2  }
0x8f: {  	_ = 	snop  }
0x90: {  	s2 =	sld [smem:$0x3FC9]  }
0x91: {  	s19 =	sld [smem:$0x3FC8]  }
0x92: {  	s4 =	sld [smem:$0x3FC7]  }
0x93: {  	s5 =	sld [smem:$0x3FD0];
	(tm) =	ssettm $0x1  }
0x94: {  	s6 =	sld [smem:$0x3FFB];
	_ =	sdelay $0x3  }
0x95: {  	_ =	strace s6  }
0x96: {  	s6 =	sld [smem:$0x3FFC];
	_ =	sdelay $0x3  }
0x97: {  	_ =	strace s6  }
0x98: {  	s6 =	sld [smem:$0x3FFD];
	_ =	sdelay $0x3  }
0x99: {  	_ =	strace s6  }
0x9a: {  	_ =	strace $0x8FFFFFFF  }
0x9b: {  	s20 =	sld [smem:$0x3FDB];
	_ =	sdelay $0x1  }
0x9c: {  	s7 =	simm.s32 $_scs_section_size  }
0x9d: {  	s8 =	simm.s32 $_size__tile_overlayer_lowered;
	s9 =	simm.s32 $_tile_overlayer_lowered  }
0x9e: {  	s23 =	simm.s32 $0x1BFF;
	s22 =	sshll.u32 s9, $0x1;
	s6 =	sadd.s32 s7, s20  }
0x9f: {  	s10 =	simm.s32 $0x0;
	s21 =	sshll.u32 s8, $0x1;
	s8 =	sadd.s32 s22, s6  }
0xa0: {  	[timem:s10], [sflag:s23] =	dma.local [hbm:s8], s21  }
0xa1: {  	_ =	swait.ge [sflag:s23], s21  }
0xa2: {  	s7 =	ssub.s32 $0x0, s21;
	[sflag:s23] =	ssyncset.done $0x0  }
0xa3: {  	[sflag:s23] =	ssyncadd.s32 s7;
	_ =	sdelay $0x1  }
0xa4: {  	s24 =	simm.s32 $0x1B8B  }
0xa5: {  	_ =	swait.ge [sflag:s24], $0x1  }
0xa6: {  	[sflag:s24] =	ssyncset.done $0x0  }
0xa7: {  	s25 =	simm.s32 $0x1B8E;
	[sflag:s24] =	ssyncadd.s32 $0xFFFFFFFF  }
0xa8: {  	s26 =	simm.s32 $execute0_lowered;
	[smem:$0x3FD2] =	sst s25  }
0xa9: {  	s7 =	sshll.u32 s26, $0x1;
	_ =	strace $0x80000046;
	[dreg:$0x1] =	wrdreg $0xFFFFFFFF  }
0xaa: {  	s28 =	simm.s32 $_size_execute0_lowered;
	s6 =	sadd.s32 s6, s7;
	[dreg:$0x0] =	wrdreg $0x0  }
0xab: {  	s7 =	sshll.u32 s28, $0x1;
	[dreg:$0x2] =	wrdreg s6  }
0xac: {  	[dreg:$0x3] =	wrdreg s7  }
0xad: {  	[dreg:$0x4] =	wrdreg $0xC0  }
0xae: {  	_ =	task [dreg:s10], $0x5FFFF  }
0xaf: {  	[dreg:$0x1] =	wrdreg $0xFFFFFFFF  }
0xb0: {  	[dreg:$0x0] =	wrdreg $0x60  }
0xb1: {  	[dreg:$0x2] =	wrdreg s2  }
0xb2: {  	[dreg:$0x3] =	wrdreg s19  }
0xb3: {  	[dreg:$0x4] =	wrdreg s4  }
0xb4: {  	[dreg:$0x5] =	wrdreg s5  }
0xb5: {  	[dreg:$0x6] =	wrdreg $0x28000  }
0xb6: {  	[dreg:$0x7] =	wrdreg $0x9  }
0xb7: {  	_ =	task.clear_ibuf [dreg:s10], $0x8FFFF;
	_ =	strace $0x90000046  }
0xb8: {  	s29 =	simm.s32 $0x9;
	_ =	strace $0x80000048  }
0xb9: {  	_ =	swait.ge [sflag:s29], $0x1  }
0xba: {  	[sflag:s29] =	ssyncadd.s32 $0xFFFFFFFF  }
0xbb: {  	_ =	strace $0x90000048  }
0xbc: {  	_ =	sfence  }
0xbd: {  	s30 =	sld [smem:$0x0];
	_ =	sdelay $0x2  }
0xbe: {  	s31 =	sshll.u32 s1, $0xD;
	s1 =	sshrl.u32 s1, $0x2  }
0xbf: {  	s3 =	sand.u32 $0x4000, s31;
	s1 =	sadd.s32 s1, s30  }
0xc0: {  	s0 =	sor.u32 s3, s0;
	s1 =	sshll.u32 s1, $0x11  }
0xc1: {  	s0 =	sor.u32 s1, s0  }
0xc2: {  	s0 =	sadd.s32 $0x8F2B, s0  }
0xc3: {  	[sflag:s0] =	ssyncadd.remote.s32 $0x1  }
0xc4: {  	_ =	sfence.sel $0xFFFF  }
0xc5: {  	[dreg:$0x0] =	wrdreg $0xFFFFFFFF;
	(pc) =	sbr.abs _section_cstart, $3  }
0xc6: {  	[dreg:$0x1] =	wrdreg $0xFFFFFFFF  }
0xc7: {  	_ =	task.clear_ibuf [dreg:s10], $0x2FFFF;
	_ =	strace $0x9FFFFFFF  }
0xc8: {  	(tm) =	ssettm $0x7FFFFFFF  }
0xc9: {  	_ =	shalt  }
tec
execute0_lowered:
.L_overlay_start_1:
0x0: {  	(tag) =	ssettag $0x1  }
0x1: {  	s4 =	rddreg [dreg:$0x0]  }
0x2: {  	s5 =	rddreg [dreg:$0x1]  }
0x3: {  	s0 =	rddreg [dreg:$0x2]  }
0x4: {  	s1 =	srdreg.scid;
	s6 =	rddreg [dreg:$0x3]  }
0x5: {  	s8 =	stileid.u32;
	s2 =	rddreg [dreg:$0x4]  }
0x6: {  	s3 =	simm.s32 $0x0;
	s7 =	sand.u32 $0x1, s1;
	s1 =	rddreg [dreg:$0x5]  }
0x7: {  	s13 =	simm.s32 $0x0;
	s10 =	smul.u32 $0x28, s8;
	[smem:$0x7FF] =	sst s3  }
0x8: {  	p0 =	sne.s32 s8, $0x0;
	s9 =	smul.u32 $0x280, s7;
	s11 =	ssub.s32 $0x2, s7  }
0x9: {  	_ =	strace $0x80000047;
	s7 =	sshll.u32 s7, $0x4;
	s8 =	sshrl.u32 @!p0 s2, $0x3  }
0xa: {  	s12 =	sshrl.u32 s11, $0x1;
	s6 =	sadd.s32 s6, s7;
	s9 =	sadd.s32 s10, s9  }
0xb: {  	s31 =	ssub.s32 s11, s12;
	s10 =	simm.s32 $0x1400;
	s11 =	simm.s32 $0x80  }
0xc: {  	s12 =	simm.s32 $0x1;
	s9 =	sshll.u32 s9, $0x4;
	s7 =	smax.u32 s31, $0x1  }
0xd: {  	s4 =	sadd.s32 s4, s9;
	s5 =	sadd.s32 s5, s9;
	s9 =	simm.s32 $0x2  }
.LBB2_1:
0xe: {  	s14 =	simm.s32 @!p0 $0x1C02  }
0xf: {  	[spmem:s8], [sflag:s14] =	dma.local @!p0 [hbm:s0], $0x500  }
0x10: {  	s14 =	simm.s32 @!p0 $0x2  }
0x11: {  	_ =	swait.ge @!p0 [sflag:s14], $0x500  }
0x12: {  	[sflag:s14] =	ssyncset.done @!p0 $0x0  }
0x13: {  	[sflag:s14] =	ssyncadd.s32 @!p0 $0xFFFFFB00  }
0x14: {  	[tilespmem:s3], [sflag:$0x2] =	stream.linear.gather [hbm4b:s4+s3], $0x1400, $0x38;
	[tilespmem:$0x2A80] =	vst v63  }
0x15: {  	_ =	swait.ge [sflag:s9], $0x1400  }
0x16: {  	[sflag:s9] =	ssyncset.done $0x0  }
0x17: {  	[sflag:s9] =	ssyncadd.s32 $0xFFFFEC00  }
0x18: {  	[tilespmem:s10], [sflag:$0x2] =	stream.linear.gather [hbm4b:s5+s3], $0x1400, $0x38;
	[tilespmem:$0x2A80] =	vst v63  }
0x19: {  	_ =	swait.ge [sflag:s9], $0x1400  }
0x1a: {  	[sflag:s9] =	ssyncset.done $0x0  }
0x1b: {  	[sflag:s9] =	ssyncadd.s32 $0xFFFFEC00  }
0x1c: {  	s14 =	simm.s32 $0x0;
	[bflag:$0x0] =	sbarrier.arrive $0xFFFF  }
.LBB2_2:
0x1d: {  	p1 =	sne.s32 s14, $0x4E00  }
.Ltmp0:
0x1e: {  	_ = 	snop;
	(pc) =	sbr.rel @p1 .LBB2_2-.Ltmp0, $4  }
0x1f: {  	_ = 	snop  }
0x20: {  	s15 =	sshra.s32 s14, $0x2  }
0x21: {  	s14 =	sadd.s32 $0x200, s14;
	s16 =	sadd.s32 $0x1400, s15  }
0x22: {  	[spmem:s2] =	stream.indirect.scatter.add.f32 [tilespmem:s16], [sflag:$0x1], $0x1, s15, s11, $0xb8;
	[tilespmem:$0x2A80] =	vst v63  }
0x23: {  	_ =	swait.ge [sflag:s12], $0x80  }
0x24: {  	s14 =	simm.s32 $0x27;
	[sflag:s12] =	ssyncset.done $0x0  }
.LBB2_4:
0x25: {  	p1 =	sne.s32 s14, $0x1;
	s14 =	sadd.s32 $0xFFFFFFFF, s14;
	[sflag:s12] =	ssyncadd.s32 $0xFFFFFF80  }
.Ltmp1:
0x26: {  	(pc) =	sbr.rel @p1 .LBB2_4-.Ltmp1, $3  }
0x27: {  	_ =	sdelay $0x1  }
0x28: {  	_ =	swait.ge [sflag:s12], $0x80  }
0x29: {  	[sflag:s12] =	ssyncset.done $0x0  }
0x2a: {  	[sflag:s12] =	ssyncadd.s32 $0xFFFFFF80;
	s14 =	simm.s32 @!p0 $0x1  }
0x2b: {  	s15 =	simm.s32 @!p0 $0x20;
	s16 =	simm.s32 @!p0 $0x10;
	s13 =	sadd.s32 $0x1, s13  }
0x2c: {  	s17 =	simm.s32 @!p0 $0x1C02;
	[bflag:$0x0] =	sbarrier.arrive $0xFFFF;
	p1 =	sne.s32 s13, s7  }
0x2d: {  	[hbm:s6@s15], [sflag:s17] =	dma.strided @!p0 [spmem:s8@s16], $0x500, s14, $0x10   }
.Ltmp2:
0x2e: {  	_ = 	snop;
	(pc) =	sbr.rel @p1 .LBB2_1-.Ltmp2, $4  }
0x2f: {  	s14 =	simm.s32 @!p0 $0x2  }
0x30: {  	_ =	swait.ge @!p0 [sflag:s14], $0x500  }
0x31: {  	[sflag:s14] =	ssyncset.done @!p0 $0x0  }
0x32: {  	[sflag:s14] =	ssyncadd.s32 @!p0 $0xFFFFFB00  }
0x33: {  	_ =	sfence.sel $0x180000  }
0x34: {  	[bflag:$0x0] =	sbarrier.arrive $0xFFFF  }
0x35: {  	_ =	strace $0x90000047  }
0x36: {  	s0 =	sadd.s32 @!p0 $0x100000, s1;
	[bflag:$0x2] =	sbarrier.arrive $0xFFFF  }
0x37: {  	[sflag:s0] =	ssyncadd.tile.s32 @!p0 $0x1;
	_ =	shalt  }
.Lfunc_end2:
_tile_overlayer_lowered:
.L_overlay_start_2:
0x38: {  	(tag) =	ssettag $0x2  }
0x39: {  	s0 =	rddreg [dreg:$0x0];
	s2 =	stileid.u32  }
0x3a: {  	s1 =	rddreg [dreg:$0x1];
	p0 =	sne.s32 s2, $0x0  }
0x3b: {  	s3 =	rddreg [dreg:$0x2];
	[bflag:$0x3] =	sbarrier.arrive $0xFFFF;
	s2 =	simm.s32 @!p0 $0x1C02  }
0x3c: {  	[timem:s3], [sflag:s2] =	dma.local @!p0 [hbm:s0], s1  }
0x3d: {  	s0 =	simm.s32 @!p0 $0x2  }
0x3e: {  	_ =	swait.ge @!p0 [sflag:s0], s1  }
0x3f: {  	s1 =	ssub.s32 @!p0 $0x0, s1;
	[sflag:s0] =	ssyncset.done @!p0 $0x0  }
0x40: {  	[sflag:s0] =	ssyncadd.s32 @!p0 s1  }
0x41: {  	[bflag:$0x3] =	sbarrier.arrive $0xFFFF  }
0x42: {  	_ =	shalt  }

</sc_bundles>
